<compile_context>
chip_gen: v7x
topology: tpu7x:2x2x1
jax: 0.10.2.dev20260603
libtpu: 0.0.44.dev20260713+nightly
codegen_flags: <defaults>
</compile_context>

<pallas_src>
import functools

import jax
import jax.numpy as jnp
from jax import lax
from jax.experimental import pallas as pl
from jax.experimental.pallas import tpu as pltpu
from jax.experimental.pallas import tpu_sc as plsc

N_NET = 10000
E_NET = 320000
H = 128
N_DAG = 200
E_DAG = 800
D_DAG = 64
ACT_LEN, ACT_DIM = 200, 8

NP = 10240
BLK = 1024
GRID = NP // BLK

try:
    _INFO = plsc.get_sparse_core_info()
    NC, NS = _INFO.num_cores, _INFO.num_subcores
except Exception:
    NC, NS = 2, 16
NW = NC * NS
K = 128
CH = -(-E_NET // (NW * K))
E_PAD = NW * K * CH
ROWS_PER_TILE = NP // NS
F32 = jnp.float32


def _deg_body(dst_hbm, ew_hbm, out_hbm, dstb, ewb, degb, deg_sh, sem):
    c = lax.axis_index("c")
    s = lax.axis_index("s")
    w = c * NS + s
    for i in range(ROWS_PER_TILE // 16):
        degb[pl.ds(i * 16, 16)] = jnp.zeros((16,), F32)
    pltpu.sync_copy(degb, deg_sh.at[pl.ds(s * ROWS_PER_TILE, ROWS_PER_TILE)])
    plsc.subcore_barrier()

    def chunk(i, _):
        off = (w * CH + i) * K
        pltpu.sync_copy(dst_hbm.at[pl.ds(off, K)], dstb)
        pltpu.sync_copy(ew_hbm.at[pl.ds(off, K)], ewb)
        pltpu.sync_copy(ewb, deg_sh.at[dstb], add=True)
        return 0

    lax.fori_loop(0, CH, chunk, 0)
    plsc.subcore_barrier()
    pltpu.sync_copy(deg_sh.at[pl.ds(s * ROWS_PER_TILE, ROWS_PER_TILE)], degb)
    pltpu.sync_copy(degb, out_hbm.at[c, pl.ds(s * ROWS_PER_TILE, ROWS_PER_TILE)])


@jax.jit
def _sc_degree(dst_pad, ew_pad):
    mesh = plsc.VectorSubcoreMesh(core_axis_name="c", subcore_axis_name="s")
    k = pl.kernel(
        _deg_body,
        out_type=jax.ShapeDtypeStruct((NC, NP), F32),
        mesh=mesh,
        scratch_types=[
            pltpu.VMEM((K,), jnp.int32),
            pltpu.VMEM((K,), F32),
            pltpu.VMEM((ROWS_PER_TILE,), F32),
            pltpu.VMEM_SHARED((NP,), F32),
            pltpu.SemaphoreType.DMA,
        ],
    )
    return k(dst_pad, ew_pad)


def _scat_body(z_hbm, src_hbm, dst_hbm, ew_hbm, out_hbm,
               srcb, dstb, ewb, rows, acc_sh, sem):
    c = lax.axis_index("c")
    s = lax.axis_index("s")
    w = c * NS + s

    def zrow(i, _):
        for j in range(H // 16):
            rows[i, pl.ds(j * 16, 16)] = jnp.zeros((16,), F32)
        return 0

    lax.fori_loop(0, K, zrow, 0)

    def zcp(i, _):
        pltpu.sync_copy(rows, acc_sh.at[pl.ds(s * ROWS_PER_TILE + i * K, K)])
        return 0

    lax.fori_loop(0, ROWS_PER_TILE // K, zcp, 0)
    plsc.subcore_barrier()

    def chunk(i, _):
        off = (w * CH + i) * K
        pltpu.sync_copy(src_hbm.at[pl.ds(off, K)], srcb)
        pltpu.sync_copy(dst_hbm.at[pl.ds(off, K)], dstb)
        pltpu.sync_copy(ew_hbm.at[pl.ds(off, K)], ewb)
        pltpu.async_copy(z_hbm.at[srcb], rows, sem).wait()

        def scale(g, _):
            ew16 = ewb[pl.ds(g * 16, 16)]
            for r16 in range(16):
                r = g * 16 + r16
                sv = jnp.full((16,), ew16[r16], F32)
                for j in range(H // 16):
                    rows[r, pl.ds(j * 16, 16)] = rows[r, pl.ds(j * 16, 16)] * sv
            return 0

        lax.fori_loop(0, K // 16, scale, 0)
        pltpu.sync_copy(rows, acc_sh.at[dstb], add=True)
        return 0

    lax.fori_loop(0, CH, chunk, 0)
    plsc.subcore_barrier()

    def ocp(i, _):
        base = s * ROWS_PER_TILE + i * K
        pltpu.sync_copy(acc_sh.at[pl.ds(base, K)], rows)
        pltpu.sync_copy(rows, out_hbm.at[c, pl.ds(base, K)])
        return 0

    lax.fori_loop(0, ROWS_PER_TILE // K, ocp, 0)


@jax.jit
def _sc_scatter(z, src_pad, dst_pad, ew_pad):
    mesh = plsc.VectorSubcoreMesh(core_axis_name="c", subcore_axis_name="s")
    k = pl.kernel(
        _scat_body,
        out_type=jax.ShapeDtypeStruct((NC, NP, H), F32),
        mesh=mesh,
        scratch_types=[
            pltpu.VMEM((K,), jnp.int32),
            pltpu.VMEM((K,), jnp.int32),
            pltpu.VMEM((K,), F32),
            pltpu.VMEM((K, H), F32),
            pltpu.VMEM_SHARED((NP, H), F32),
            pltpu.SemaphoreType.DMA,
        ],
    )
    return k(z, src_pad, dst_pad, ew_pad)


def _dis(degp):
    deg = jnp.sum(degp, axis=1, keepdims=True) + 1.0
    return jnp.where(deg > 0, lax.rsqrt(jnp.where(deg > 0, deg, 1.0)), 0.0)


def _prep_body(x_ref, w_ref, degp_ref, z_ref):
    dis = _dis(degp_ref[...])
    xw = jnp.dot(x_ref[...], w_ref[...], preferred_element_type=F32)
    z_ref[...] = xw * dis


@jax.jit
def _tc_prep(net_feat_p, Wn0, degp):
    return pl.pallas_call(
        _prep_body,
        grid=(GRID,),
        in_specs=[
            pl.BlockSpec((BLK, H), lambda i: (i, 0)),
            pl.BlockSpec((H, H), lambda i: (0, 0)),
            pl.BlockSpec((BLK, 2), lambda i: (i, 0)),
        ],
        out_specs=pl.BlockSpec((BLK, H), lambda i: (i, 0)),
        out_shape=jax.ShapeDtypeStruct((NP, H), F32),
    )(net_feat_p, Wn0, degp)


def _mid_body(p_ref, z0_ref, degp_ref, w_ref, b_ref, z1_ref):
    dis = _dis(degp_ref[...])
    acc = p_ref[0] + p_ref[1] + z0_ref[...]
    emb1 = jnp.maximum(dis * acc + b_ref[...], 0.0)
    z1_ref[...] = jnp.dot(emb1, w_ref[...], preferred_element_type=F32) * dis


@jax.jit
def _tc_mid(p, z0, degp, Wn1, bn0):
    return pl.pallas_call(
        _mid_body,
        grid=(GRID,),
        in_specs=[
            pl.BlockSpec((NC, BLK, H), lambda i: (0, i, 0)),
            pl.BlockSpec((BLK, H), lambda i: (i, 0)),
            pl.BlockSpec((BLK, 2), lambda i: (i, 0)),
            pl.BlockSpec((H, H), lambda i: (0, 0)),
            pl.BlockSpec((1, H), lambda i: (0, 0)),
        ],
        out_specs=pl.BlockSpec((BLK, H), lambda i: (i, 0)),
        out_shape=jax.ShapeDtypeStruct((NP, H), F32),
    )(p, z0, degp, Wn1, bn0.reshape(1, H))


def _dag_body(feat_ref, srcc_ref, dstc_ref, ew_ref,
              wd0_ref, bd0_ref, wd1_ref, bd1_ref, out_ref):
    n_iota = lax.broadcasted_iota(jnp.int32, (1, N_DAG), 1)
    S = (srcc_ref[...] == n_iota).astype(F32)
    D = (dstc_ref[...] == n_iota).astype(F32)
    ew = ew_ref[...]
    deg = jnp.dot(D.T, ew, preferred_element_type=F32) + 1.0
    dis = jnp.where(deg > 0, lax.rsqrt(jnp.where(deg > 0, deg, 1.0)), 0.0)
    A = jnp.dot(D.T, S * ew, preferred_element_type=F32)
    eye = (lax.broadcasted_iota(jnp.int32, (N_DAG, N_DAG), 0)
           == lax.broadcasted_iota(jnp.int32, (N_DAG, N_DAG), 1)).astype(F32)
    Afull = A + eye

    xw0 = jnp.dot(feat_ref[...], wd0_ref[...], preferred_element_type=F32)
    d1 = jnp.maximum(
        dis * jnp.dot(Afull, dis * xw0, preferred_element_type=F32)
        + bd0_ref[...], 0.0)
    xw1 = jnp.dot(d1, wd1_ref[...], preferred_element_type=F32)
    d2 = jnp.maximum(
        dis * jnp.dot(Afull, dis * xw1, preferred_element_type=F32)
        + bd1_ref[...], 0.0)
    ss = jnp.sum(d2 * d2, axis=1, keepdims=True)
    nrm = d2 / jnp.maximum(jnp.sqrt(ss), 1e-12)
    out_ref[...] = jnp.sum(nrm, axis=0, keepdims=True) / N_DAG


@jax.jit
def _tc_dag(dag_feat, dag_src, dag_dst, dag_ew, Wd0, bd0, Wd1, bd1):
    return pl.pallas_call(
        _dag_body,
        out_shape=jax.ShapeDtypeStruct((1, H), F32),
    )(dag_feat, dag_src.reshape(E_DAG, 1), dag_dst.reshape(E_DAG, 1),
      dag_ew.reshape(E_DAG, 1), Wd0, bd0.reshape(1, H), Wd1, bd1.reshape(1, H))


def _fin_body(p_ref, z1_ref, degp_ref, bn1_ref, dagv_ref,
              wh1_ref, bh1_ref, wh2_ref, bh2_ref, out_ref, accs):
    i = pl.program_id(0)

    @pl.when(i == 0)
    def _():
        accs[...] = jnp.zeros_like(accs)

    dis = _dis(degp_ref[...])
    acc = p_ref[0] + p_ref[1] + z1_ref[...]
    emb2 = jnp.maximum(dis * acc + bn1_ref[...], 0.0)
    ss = jnp.sum(emb2 * emb2, axis=1, keepdims=True)
    nrm = emb2 / jnp.maximum(jnp.sqrt(ss), 1e-12)
    rowid = lax.broadcasted_iota(jnp.int32, (BLK, 1), 0) + i * BLK
    nrm = jnp.where(rowid < N_NET, nrm, 0.0)
    accs[...] += jnp.sum(nrm, axis=0, keepdims=True)

    @pl.when(i == pl.num_programs(0) - 1)
    def _():
        hyb = accs[...] / N_NET + dagv_ref[...]
        h = jnp.maximum(
            jnp.dot(hyb, wh1_ref[...], preferred_element_type=F32)
            + bh1_ref[...], 0.0)
        out_ref[...] = (jnp.dot(h, wh2_ref[...], preferred_element_type=F32)
                        + bh2_ref[...])


@jax.jit
def _tc_final(p, z1, degp, bn1, dagv, Wh1, bh1, Wh2, bh2):
    nout = ACT_LEN * ACT_DIM
    return pl.pallas_call(
        _fin_body,
        grid=(GRID,),
        in_specs=[
            pl.BlockSpec((NC, BLK, H), lambda i: (0, i, 0)),
            pl.BlockSpec((BLK, H), lambda i: (i, 0)),
            pl.BlockSpec((BLK, 2), lambda i: (i, 0)),
            pl.BlockSpec((1, H), lambda i: (0, 0)),
            pl.BlockSpec((1, H), lambda i: (0, 0)),
            pl.BlockSpec((H, 256), lambda i: (0, 0)),
            pl.BlockSpec((1, 256), lambda i: (0, 0)),
            pl.BlockSpec((256, nout), lambda i: (0, 0)),
            pl.BlockSpec((1, nout), lambda i: (0, 0)),
        ],
        out_specs=pl.BlockSpec((1, nout), lambda i: (0, 0)),
        out_shape=jax.ShapeDtypeStruct((1, nout), F32),
        scratch_shapes=[pltpu.VMEM((1, H), F32)],
    )(p, z1, degp, bn1.reshape(1, H), dagv, Wh1, bh1.reshape(1, 256),
      Wh2, bh2.reshape(1, nout))


def kernel(net_feat, net_edge_index, net_edge_weights,
           dag_feat, dag_edge_index, dag_edge_weights,
           Wn0, bn0, Wn1, bn1, Wd0, bd0, Wd1, bd1, Wh1, bh1, Wh2, bh2):
    xp = jnp.pad(net_feat, ((0, NP - N_NET), (0, 0)))
    epad = E_PAD - E_NET
    src_pad = jnp.pad(net_edge_index[0], (0, epad))
    dst_pad = jnp.pad(net_edge_index[1], (0, epad))
    ew_pad = jnp.pad(net_edge_weights, (0, epad))

    degp = _sc_degree(dst_pad, ew_pad)
    degp = jnp.transpose(degp)

    dagv = _tc_dag(dag_feat, dag_edge_index[0], dag_edge_index[1],
                   dag_edge_weights, Wd0, bd0, Wd1, bd1)

    z0 = _tc_prep(xp, Wn0, degp)
    p0 = _sc_scatter(z0, src_pad, dst_pad, ew_pad)
    z1 = _tc_mid(p0, z0, degp, Wn1, bn0)
    p1 = _sc_scatter(z1, src_pad, dst_pad, ew_pad)
    act = _tc_final(p1, z1, degp, bn1, dagv, Wh1, bh1, Wh2, bh2)
    return act.reshape(ACT_LEN, ACT_DIM)

# --- scband reference (transcript-rebuilt; emitter-appended) ---
"""Pipeline reference for scband-gcn-actor-24223615550523 (READ-ONLY COPY).

The authoritative reference and input builder live on the scoring server;
editing this copy changes nothing except your own understanding.
"""

import jax, jax.numpy as jnp
import numpy as np


def gcn_conv(x, edge_index, edge_weight, W, b):
    # Faithful PyG GCNConv: add self-loops (weight 1), symmetric deg normalization,
    # gather messages from src, scatter-add to dst, then bias.
    N = x.shape[0]
    src = edge_index[0]
    dst = edge_index[1]
    loop = jnp.arange(N, dtype=edge_index.dtype)
    src = jnp.concatenate([src, loop])
    dst = jnp.concatenate([dst, loop])
    ew = jnp.concatenate([edge_weight, jnp.ones((N,), dtype=x.dtype)])
    deg = jnp.zeros((N,), dtype=x.dtype).at[dst].add(ew)
    deg_safe = jnp.where(deg > 0, deg, 1.0)
    dis = jnp.where(deg > 0, 1.0 / jnp.sqrt(deg_safe), 0.0)
    norm = dis[src] * ew * dis[dst]
    xw = x @ W
    msg = xw[src] * norm[:, None]
    out = jnp.zeros((N, W.shape[1]), dtype=x.dtype).at[dst].add(msg)
    return out + b


def l2normalize(x):
    n = jnp.sqrt(jnp.sum(x * x, axis=-1, keepdims=True))
    return x / jnp.maximum(n, 1e-12)


def setup_inputs(seed: int = 0) -> dict:
    key = jax.random.key(seed)
    ks = jax.random.split(key, 24)
    N_net, E_net, D_net = 10000, 320000, 128
    N_dag, E_dag, D_dag = 200, 800, 64
    H = 128
    action_len, action_dim = 200, 8
    inp = {}
    inp['net_feat'] = jax.random.normal(ks[0], (N_net, D_net), dtype=jnp.float32)
    inp['net_edge_index'] = jax.random.randint(ks[1], (2, E_net), 0, N_net, dtype=jnp.int32)
    inp['net_edge_weights'] = jax.random.uniform(ks[2], (E_net,), dtype=jnp.float32)
    inp['dag_feat'] = jax.random.normal(ks[3], (N_dag, D_dag), dtype=jnp.float32)
    inp['dag_edge_index'] = jax.random.randint(ks[4], (2, E_dag), 0, N_dag, dtype=jnp.int32)
    inp['dag_edge_weights'] = jax.random.uniform(ks[5], (E_dag,), dtype=jnp.float32)
    # net GCN layer params (128->128, 128->128)
    inp['Wn0'] = jax.random.normal(ks[6], (D_net, H), dtype=jnp.float32) / np.sqrt(D_net)
    inp['bn0'] = jnp.zeros((H,), dtype=jnp.float32)
    inp['Wn1'] = jax.random.normal(ks[7], (H, H), dtype=jnp.float32) / np.sqrt(H)
    inp['bn1'] = jnp.zeros((H,), dtype=jnp.float32)
    # dag GCN layer params (64->128, 128->128)
    inp['Wd0'] = jax.random.normal(ks[8], (D_dag, H), dtype=jnp.float32) / np.sqrt(D_dag)
    inp['bd0'] = jnp.zeros((H,), dtype=jnp.float32)
    inp['Wd1'] = jax.random.normal(ks[9], (H, H), dtype=jnp.float32) / np.sqrt(H)
    inp['bd1'] = jnp.zeros((H,), dtype=jnp.float32)
    # action head: Linear(128,256) -> ReLU -> Linear(256, action_len*action_dim)
    inp['Wh1'] = jax.random.normal(ks[10], (H, 256), dtype=jnp.float32) / np.sqrt(H)
    inp['bh1'] = jnp.zeros((256,), dtype=jnp.float32)
    inp['Wh2'] = jax.random.normal(ks[11], (256, action_len * action_dim), dtype=jnp.float32) / np.sqrt(256)
    inp['bh2'] = jnp.zeros((action_len * action_dim,), dtype=jnp.float32)
    return inp


def reference(net_feat, net_edge_index, net_edge_weights, dag_feat, dag_edge_index, dag_edge_weights, Wn0, bn0, Wn1, bn1, Wd0, bd0, Wd1, bd1, Wh1, bh1, Wh2, bh2):
    action_len, action_dim = 200, 8
    net_emb = jax.nn.relu(gcn_conv(net_feat, net_edge_index, net_edge_weights, Wn0, bn0))
    net_emb = jax.nn.relu(gcn_conv(net_emb, net_edge_index, net_edge_weights, Wn1, bn1))
    dag_emb = jax.nn.relu(gcn_conv(dag_feat, dag_edge_index, dag_edge_weights, Wd0, bd0))
    dag_emb = jax.nn.relu(gcn_conv(dag_emb, dag_edge_index, dag_edge_weights, Wd1, bd1))
    # normalize == True
    net_emb = l2normalize(net_emb)
    dag_emb = l2normalize(dag_emb)
    # non-batched path, is_attention == False
    net_node_num = net_emb.shape[0]
    dag_node_num = dag_emb.shape[0]
    alpha = jnp.ones((net_node_num, dag_node_num), dtype=net_emb.dtype)
    hyb_embedding_net = net_emb + (alpha @ dag_emb) / dag_node_num
    hyb_embedding_dag = dag_emb + (alpha.T @ net_emb) / net_node_num
    hyb_embedding = (hyb_embedding_net.mean(axis=0) + hyb_embedding_dag.mean(axis=0)) / 2.0
    h = jax.nn.relu(hyb_embedding @ Wh1 + bh1)
    action = (h @ Wh2 + bh2).reshape(action_len, action_dim)
    return action

if __name__ == "__main__":
    import jax
    _d = setup_inputs()
    print(jax.jit(kernel)(*tuple(_d.values())))

</pallas_src>

<mosaic_0001>
#map = affine_map<(d0, d1) -> (0)>
#map1 = affine_map<(d0, d1) -> (0, 0)>
module attributes {stable_mosaic.version = 14 : i64} {
  func.func @_deg_body(%arg0: i32, %arg1: i32, %arg2: memref<323584xi32, #tpu.memory_space<hbm>>, %arg3: memref<323584xf32, #tpu.memory_space<hbm>>, %arg4: memref<2x10240xf32, #tpu.memory_space<hbm>>, %arg5: memref<128xi32, #tpu.memory_space<vmem>>, %arg6: memref<128xf32, #tpu.memory_space<vmem>>, %arg7: memref<640xf32, #tpu.memory_space<vmem>>, %arg8: memref<10240xf32, #tpu.memory_space<vmem_shared>>, %arg9: memref<!tpu.dma_semaphore, #tpu.memory_space<semaphore_mem>>) attributes {dimension_semantics = [#tpu.dimension_semantics<core_parallel>, #tpu.dimension_semantics<subcore_parallel>], iteration_bounds = array<i64: 2, 16>, scalar_prefetch = 0 : i64, scratch_operands = 5 : i64, tpu.core_type = #tpu.core_type<sc_vector_subcore>, window_params = [{transform_indices = #map}, {transform_indices = #map}, {transform_indices = #map1}]} {
    %mul3A = arith.constant 16 : i32
    %mul3A_0 = arith.muli %arg0, %mul3A : i32
    %add3A = arith.addi %mul3A_0, %arg1 : i32
    %broadcast_in_dim3A = arith.constant 0.000000e+00 : f32
    %broadcast_in_dim3A_1 = vector.broadcast %broadcast_in_dim3A : f32 to vector<16xf32>
    %swap3A = arith.constant 0 : index
    %swap3A_2 = tpu.vector_load %arg7[%swap3A] {strides = array<i32>} : memref<640xf32, #tpu.memory_space<vmem>>, vector<16xf32>,
    %swap3A_3 = vector.shape_cast %swap3A_2 : vector<16xf32> to vector<16xf32>
    %swap3A_4 = vector.shape_cast %broadcast_in_dim3A_1 : vector<16xf32> to vector<16xf32>
    tpu.vector_store %arg7[%swap3A], %swap3A_4 {strides = array<i32>} : memref<640xf32, #tpu.memory_space<vmem>>, vector<16xf32>,
    %broadcast_in_dim3A_5 = arith.constant 0.000000e+00 : f32
    %broadcast_in_dim3A_6 = vector.broadcast %broadcast_in_dim3A_5 : f32 to vector<16xf32>
    %swap3A_7 = arith.constant 16 : index
    %swap3A_8 = tpu.vector_load %arg7[%swap3A_7] {strides = array<i32>} : memref<640xf32, #tpu.memory_space<vmem>>, vector<16xf32>,
    %swap3A_9 = vector.shape_cast %swap3A_8 : vector<16xf32> to vector<16xf32>
    %swap3A_10 = vector.shape_cast %broadcast_in_dim3A_6 : vector<16xf32> to vector<16xf32>
    tpu.vector_store %arg7[%swap3A_7], %swap3A_10 {strides = array<i32>} : memref<640xf32, #tpu.memory_space<vmem>>, vector<16xf32>,
    %broadcast_in_dim3A_11 = arith.constant 0.000000e+00 : f32
    %broadcast_in_dim3A_12 = vector.broadcast %broadcast_in_dim3A_11 : f32 to vector<16xf32>
    %swap3A_13 = arith.constant 32 : index
    %swap3A_14 = tpu.vector_load %arg7[%swap3A_13] {strides = array<i32>} : memref<640xf32, #tpu.memory_space<vmem>>, vector<16xf32>,
    %swap3A_15 = vector.shape_cast %swap3A_14 : vector<16xf32> to vector<16xf32>
    %swap3A_16 = vector.shape_cast %broadcast_in_dim3A_12 : vector<16xf32> to vector<16xf32>
    tpu.vector_store %arg7[%swap3A_13], %swap3A_16 {strides = array<i32>} : memref<640xf32, #tpu.memory_space<vmem>>, vector<16xf32>,
    %broadcast_in_dim3A_17 = arith.constant 0.000000e+00 : f32
    %broadcast_in_dim3A_18 = vector.broadcast %broadcast_in_dim3A_17 : f32 to vector<16xf32>
    %swap3A_19 = arith.constant 48 : index
    %swap3A_20 = tpu.vector_load %arg7[%swap3A_19] {strides = array<i32>} : memref<640xf32, #tpu.memory_space<vmem>>, vector<16xf32>,
    %swap3A_21 = vector.shape_cast %swap3A_20 : vector<16xf32> to vector<16xf32>
    %swap3A_22 = vector.shape_cast %broadcast_in_dim3A_18 : vector<16xf32> to vector<16xf32>
    tpu.vector_store %arg7[%swap3A_19], %swap3A_22 {strides = array<i32>} : memref<640xf32, #tpu.memory_space<vmem>>, vector<16xf32>,
    %broadcast_in_dim3A_23 = arith.constant 0.000000e+00 : f32
    %broadcast_in_dim3A_24 = vector.broadcast %broadcast_in_dim3A_23 : f32 to vector<16xf32>
    %swap3A_25 = arith.constant 64 : index
    %swap3A_26 = tpu.vector_load %arg7[%swap3A_25] {strides = array<i32>} : memref<640xf32, #tpu.memory_space<vmem>>, vector<16xf32>,
    %swap3A_27 = vector.shape_cast %swap3A_26 : vector<16xf32> to vector<16xf32>
    %swap3A_28 = vector.shape_cast %broadcast_in_dim3A_24 : vector<16xf32> to vector<16xf32>
    tpu.vector_store %arg7[%swap3A_25], %swap3A_28 {strides = array<i32>} : memref<640xf32, #tpu.memory_space<vmem>>, vector<16xf32>,
    %broadcast_in_dim3A_29 = arith.constant 0.000000e+00 : f32
    %broadcast_in_dim3A_30 = vector.broadcast %broadcast_in_dim3A_29 : f32 to vector<16xf32>
    %swap3A_31 = arith.constant 80 : index
    %swap3A_32 = tpu.vector_load %arg7[%swap3A_31] {strides = array<i32>} : memref<640xf32, #tpu.memory_space<vmem>>, vector<16xf32>,
    %swap3A_33 = vector.shape_cast %swap3A_32 : vector<16xf32> to vector<16xf32>
    %swap3A_34 = vector.shape_cast %broadcast_in_dim3A_30 : vector<16xf32> to vector<16xf32>
    tpu.vector_store %arg7[%swap3A_31], %swap3A_34 {strides = array<i32>} : memref<640xf32, #tpu.memory_space<vmem>>, vector<16xf32>,
    %broadcast_in_dim3A_35 = arith.constant 0.000000e+00 : f32
    %broadcast_in_dim3A_36 = vector.broadcast %broadcast_in_dim3A_35 : f32 to vector<16xf32>
    %swap3A_37 = arith.constant 96 : index
    %swap3A_38 = tpu.vector_load %arg7[%swap3A_37] {strides = array<i32>} : memref<640xf32, #tpu.memory_space<vmem>>, vector<16xf32>,
    %swap3A_39 = vector.shape_cast %swap3A_38 : vector<16xf32> to vector<16xf32>
    %swap3A_40 = vector.shape_cast %broadcast_in_dim3A_36 : vector<16xf32> to vector<16xf32>
    tpu.vector_store %arg7[%swap3A_37], %swap3A_40 {strides = array<i32>} : memref<640xf32, #tpu.memory_space<vmem>>, vector<16xf32>,
    %broadcast_in_dim3A_41 = arith.constant 0.000000e+00 : f32
    %broadcast_in_dim3A_42 = vector.broadcast %broadcast_in_dim3A_41 : f32 to vector<16xf32>
    %swap3A_43 = arith.constant 112 : index
    %swap3A_44 = tpu.vector_load %arg7[%swap3A_43] {strides = array<i32>} : memref<640xf32, #tpu.memory_space<vmem>>, vector<16xf32>,
    %swap3A_45 = vector.shape_cast %swap3A_44 : vector<16xf32> to vector<16xf32>
    %swap3A_46 = vector.shape_cast %broadcast_in_dim3A_42 : vector<16xf32> to vector<16xf32>
    tpu.vector_store %arg7[%swap3A_43], %swap3A_46 {strides = array<i32>} : memref<640xf32, #tpu.memory_space<vmem>>, vector<16xf32>,
    %broadcast_in_dim3A_47 = arith.constant 0.000000e+00 : f32
    %broadcast_in_dim3A_48 = vector.broadcast %broadcast_in_dim3A_47 : f32 to vector<16xf32>
    %swap3A_49 = arith.constant 128 : index
    %swap3A_50 = tpu.vector_load %arg7[%swap3A_49] {strides = array<i32>} : memref<640xf32, #tpu.memory_space<vmem>>, vector<16xf32>,
    %swap3A_51 = vector.shape_cast %swap3A_50 : vector<16xf32> to vector<16xf32>
    %swap3A_52 = vector.shape_cast %broadcast_in_dim3A_48 : vector<16xf32> to vector<16xf32>
    tpu.vector_store %arg7[%swap3A_49], %swap3A_52 {strides = array<i32>} : memref<640xf32, #tpu.memory_space<vmem>>, vector<16xf32>,
    %broadcast_in_dim3A_53 = arith.constant 0.000000e+00 : f32
    %broadcast_in_dim3A_54 = vector.broadcast %broadcast_in_dim3A_53 : f32 to vector<16xf32>
    %swap3A_55 = arith.constant 144 : index
    %swap3A_56 = tpu.vector_load %arg7[%swap3A_55] {strides = array<i32>} : memref<640xf32, #tpu.memory_space<vmem>>, vector<16xf32>,
    %swap3A_57 = vector.shape_cast %swap3A_56 : vector<16xf32> to vector<16xf32>
    %swap3A_58 = vector.shape_cast %broadcast_in_dim3A_54 : vector<16xf32> to vector<16xf32>
    tpu.vector_store %arg7[%swap3A_55], %swap3A_58 {strides = array<i32>} : memref<640xf32, #tpu.memory_space<vmem>>, vector<16xf32>,
    %broadcast_in_dim3A_59 = arith.constant 0.000000e+00 : f32
    %broadcast_in_dim3A_60 = vector.broadcast %broadcast_in_dim3A_59 : f32 to vector<16xf32>
    %swap3A_61 = arith.constant 160 : index
    %swap3A_62 = tpu.vector_load %arg7[%swap3A_61] {strides = array<i32>} : memref<640xf32, #tpu.memory_space<vmem>>, vector<16xf32>,
    %swap3A_63 = vector.shape_cast %swap3A_62 : vector<16xf32> to vector<16xf32>
    %swap3A_64 = vector.shape_cast %broadcast_in_dim3A_60 : vector<16xf32> to vector<16xf32>
    tpu.vector_store %arg7[%swap3A_61], %swap3A_64 {strides = array<i32>} : memref<640xf32, #tpu.memory_space<vmem>>, vector<16xf32>,
    %broadcast_in_dim3A_65 = arith.constant 0.000000e+00 : f32
    %broadcast_in_dim3A_66 = vector.broadcast %broadcast_in_dim3A_65 : f32 to vector<16xf32>
    %swap3A_67 = arith.constant 176 : index
    %swap3A_68 = tpu.vector_load %arg7[%swap3A_67] {strides = array<i32>} : memref<640xf32, #tpu.memory_space<vmem>>, vector<16xf32>,
    %swap3A_69 = vector.shape_cast %swap3A_68 : vector<16xf32> to vector<16xf32>
    %swap3A_70 = vector.shape_cast %broadcast_in_dim3A_66 : vector<16xf32> to vector<16xf32>
    tpu.vector_store %arg7[%swap3A_67], %swap3A_70 {strides = array<i32>} : memref<640xf32, #tpu.memory_space<vmem>>, vector<16xf32>,
    %broadcast_in_dim3A_71 = arith.constant 0.000000e+00 : f32
    %broadcast_in_dim3A_72 = vector.broadcast %broadcast_in_dim3A_71 : f32 to vector<16xf32>
    %swap3A_73 = arith.constant 192 : index
    %swap3A_74 = tpu.vector_load %arg7[%swap3A_73] {strides = array<i32>} : memref<640xf32, #tpu.memory_space<vmem>>, vector<16xf32>,
    %swap3A_75 = vector.shape_cast %swap3A_74 : vector<16xf32> to vector<16xf32>
    %swap3A_76 = vector.shape_cast %broadcast_in_dim3A_72 : vector<16xf32> to vector<16xf32>
    tpu.vector_store %arg7[%swap3A_73], %swap3A_76 {strides = array<i32>} : memref<640xf32, #tpu.memory_space<vmem>>, vector<16xf32>,
    %broadcast_in_dim3A_77 = arith.constant 0.000000e+00 : f32
    %broadcast_in_dim3A_78 = vector.broadcast %broadcast_in_dim3A_77 : f32 to vector<16xf32>
    %swap3A_79 = arith.constant 208 : index
    %swap3A_80 = tpu.vector_load %arg7[%swap3A_79] {strides = array<i32>} : memref<640xf32, #tpu.memory_space<vmem>>, vector<16xf32>,
    %swap3A_81 = vector.shape_cast %swap3A_80 : vector<16xf32> to vector<16xf32>
    %swap3A_82 = vector.shape_cast %broadcast_in_dim3A_78 : vector<16xf32> to vector<16xf32>
    tpu.vector_store %arg7[%swap3A_79], %swap3A_82 {strides = array<i32>} : memref<640xf32, #tpu.memory_space<vmem>>, vector<16xf32>,
    %broadcast_in_dim3A_83 = arith.constant 0.000000e+00 : f32
    %broadcast_in_dim3A_84 = vector.broadcast %broadcast_in_dim3A_83 : f32 to vector<16xf32>
    %swap3A_85 = arith.constant 224 : index
    %swap3A_86 = tpu.vector_load %arg7[%swap3A_85] {strides = array<i32>} : memref<640xf32, #tpu.memory_space<vmem>>, vector<16xf32>,
    %swap3A_87 = vector.shape_cast %swap3A_86 : vector<16xf32> to vector<16xf32>
    %swap3A_88 = vector.shape_cast %broadcast_in_dim3A_84 : vector<16xf32> to vector<16xf32>
    tpu.vector_store %arg7[%swap3A_85], %swap3A_88 {strides = array<i32>} : memref<640xf32, #tpu.memory_space<vmem>>, vector<16xf32>,
    %broadcast_in_dim3A_89 = arith.constant 0.000000e+00 : f32
    %broadcast_in_dim3A_90 = vector.broadcast %broadcast_in_dim3A_89 : f32 to vector<16xf32>
    %swap3A_91 = arith.constant 240 : index
    %swap3A_92 = tpu.vector_load %arg7[%swap3A_91] {strides = array<i32>} : memref<640xf32, #tpu.memory_space<vmem>>, vector<16xf32>,
    %swap3A_93 = vector.shape_cast %swap3A_92 : vector<16xf32> to vector<16xf32>
    %swap3A_94 = vector.shape_cast %broadcast_in_dim3A_90 : vector<16xf32> to vector<16xf32>
    tpu.vector_store %arg7[%swap3A_91], %swap3A_94 {strides = array<i32>} : memref<640xf32, #tpu.memory_space<vmem>>, vector<16xf32>,
    %broadcast_in_dim3A_95 = arith.constant 0.000000e+00 : f32
    %broadcast_in_dim3A_96 = vector.broadcast %broadcast_in_dim3A_95 : f32 to vector<16xf32>
    %swap3A_97 = arith.constant 256 : index
    %swap3A_98 = tpu.vector_load %arg7[%swap3A_97] {strides = array<i32>} : memref<640xf32, #tpu.memory_space<vmem>>, vector<16xf32>,
    %swap3A_99 = vector.shape_cast %swap3A_98 : vector<16xf32> to vector<16xf32>
    %swap3A_100 = vector.shape_cast %broadcast_in_dim3A_96 : vector<16xf32> to vector<16xf32>
    tpu.vector_store %arg7[%swap3A_97], %swap3A_100 {strides = array<i32>} : memref<640xf32, #tpu.memory_space<vmem>>, vector<16xf32>,
    %broadcast_in_dim3A_101 = arith.constant 0.000000e+00 : f32
    %broadcast_in_dim3A_102 = vector.broadcast %broadcast_in_dim3A_101 : f32 to vector<16xf32>
    %swap3A_103 = arith.constant 272 : index
    %swap3A_104 = tpu.vector_load %arg7[%swap3A_103] {strides = array<i32>} : memref<640xf32, #tpu.memory_space<vmem>>, vector<16xf32>,
    %swap3A_105 = vector.shape_cast %swap3A_104 : vector<16xf32> to vector<16xf32>
    %swap3A_106 = vector.shape_cast %broadcast_in_dim3A_102 : vector<16xf32> to vector<16xf32>
    tpu.vector_store %arg7[%swap3A_103], %swap3A_106 {strides = array<i32>} : memref<640xf32, #tpu.memory_space<vmem>>, vector<16xf32>,
    %broadcast_in_dim3A_107 = arith.constant 0.000000e+00 : f32
    %broadcast_in_dim3A_108 = vector.broadcast %broadcast_in_dim3A_107 : f32 to vector<16xf32>
    %swap3A_109 = arith.constant 288 : index
    %swap3A_110 = tpu.vector_load %arg7[%swap3A_109] {strides = array<i32>} : memref<640xf32, #tpu.memory_space<vmem>>, vector<16xf32>,
    %swap3A_111 = vector.shape_cast %swap3A_110 : vector<16xf32> to vector<16xf32>
    %swap3A_112 = vector.shape_cast %broadcast_in_dim3A_108 : vector<16xf32> to vector<16xf32>
    tpu.vector_store %arg7[%swap3A_109], %swap3A_112 {strides = array<i32>} : memref<640xf32, #tpu.memory_space<vmem>>, vector<16xf32>,
    %broadcast_in_dim3A_113 = arith.constant 0.000000e+00 : f32
    %broadcast_in_dim3A_114 = vector.broadcast %broadcast_in_dim3A_113 : f32 to vector<16xf32>
    %swap3A_115 = arith.constant 304 : index
    %swap3A_116 = tpu.vector_load %arg7[%swap3A_115] {strides = array<i32>} : memref<640xf32, #tpu.memory_space<vmem>>, vector<16xf32>,
    %swap3A_117 = vector.shape_cast %swap3A_116 : vector<16xf32> to vector<16xf32>
    %swap3A_118 = vector.shape_cast %broadcast_in_dim3A_114 : vector<16xf32> to vector<16xf32>
    tpu.vector_store %arg7[%swap3A_115], %swap3A_118 {strides = array<i32>} : memref<640xf32, #tpu.memory_space<vmem>>, vector<16xf32>,
    %broadcast_in_dim3A_119 = arith.constant 0.000000e+00 : f32
    %broadcast_in_dim3A_120 = vector.broadcast %broadcast_in_dim3A_119 : f32 to vector<16xf32>
    %swap3A_121 = arith.constant 320 : index
    %swap3A_122 = tpu.vector_load %arg7[%swap3A_121] {strides = array<i32>} : memref<640xf32, #tpu.memory_space<vmem>>, vector<16xf32>,
    %swap3A_123 = vector.shape_cast %swap3A_122 : vector<16xf32> to vector<16xf32>
    %swap3A_124 = vector.shape_cast %broadcast_in_dim3A_120 : vector<16xf32> to vector<16xf32>
    tpu.vector_store %arg7[%swap3A_121], %swap3A_124 {strides = array<i32>} : memref<640xf32, #tpu.memory_space<vmem>>, vector<16xf32>,
    %broadcast_in_dim3A_125 = arith.constant 0.000000e+00 : f32
    %broadcast_in_dim3A_126 = vector.broadcast %broadcast_in_dim3A_125 : f32 to vector<16xf32>
    %swap3A_127 = arith.constant 336 : index
    %swap3A_128 = tpu.vector_load %arg7[%swap3A_127] {strides = array<i32>} : memref<640xf32, #tpu.memory_space<vmem>>, vector<16xf32>,
    %swap3A_129 = vector.shape_cast %swap3A_128 : vector<16xf32> to vector<16xf32>
    %swap3A_130 = vector.shape_cast %broadcast_in_dim3A_126 : vector<16xf32> to vector<16xf32>
    tpu.vector_store %arg7[%swap3A_127], %swap3A_130 {strides = array<i32>} : memref<640xf32, #tpu.memory_space<vmem>>, vector<16xf32>,
    %broadcast_in_dim3A_131 = arith.constant 0.000000e+00 : f32
    %broadcast_in_dim3A_132 = vector.broadcast %broadcast_in_dim3A_131 : f32 to vector<16xf32>
    %swap3A_133 = arith.constant 352 : index
    %swap3A_134 = tpu.vector_load %arg7[%swap3A_133] {strides = array<i32>} : memref<640xf32, #tpu.memory_space<vmem>>, vector<16xf32>,
    %swap3A_135 = vector.shape_cast %swap3A_134 : vector<16xf32> to vector<16xf32>
    %swap3A_136 = vector.shape_cast %broadcast_in_dim3A_132 : vector<16xf32> to vector<16xf32>
    tpu.vector_store %arg7[%swap3A_133], %swap3A_136 {strides = array<i32>} : memref<640xf32, #tpu.memory_space<vmem>>, vector<16xf32>,
    %broadcast_in_dim3A_137 = arith.constant 0.000000e+00 : f32
    %broadcast_in_dim3A_138 = vector.broadcast %broadcast_in_dim3A_137 : f32 to vector<16xf32>
    %swap3A_139 = arith.constant 368 : index
    %swap3A_140 = tpu.vector_load %arg7[%swap3A_139] {strides = array<i32>} : memref<640xf32, #tpu.memory_space<vmem>>, vector<16xf32>,
    %swap3A_141 = vector.shape_cast %swap3A_140 : vector<16xf32> to vector<16xf32>
    %swap3A_142 = vector.shape_cast %broadcast_in_dim3A_138 : vector<16xf32> to vector<16xf32>
    tpu.vector_store %arg7[%swap3A_139], %swap3A_142 {strides = array<i32>} : memref<640xf32, #tpu.memory_space<vmem>>, vector<16xf32>,
    %broadcast_in_dim3A_143 = arith.constant 0.000000e+00 : f32
    %broadcast_in_dim3A_144 = vector.broadcast %broadcast_in_dim3A_143 : f32 to vector<16xf32>
    %swap3A_145 = arith.constant 384 : index
    %swap3A_146 = tpu.vector_load %arg7[%swap3A_145] {strides = array<i32>} : memref<640xf32, #tpu.memory_space<vmem>>, vector<16xf32>,
    %swap3A_147 = vector.shape_cast %swap3A_146 : vector<16xf32> to vector<16xf32>
    %swap3A_148 = vector.shape_cast %broadcast_in_dim3A_144 : vector<16xf32> to vector<16xf32>
    tpu.vector_store %arg7[%swap3A_145], %swap3A_148 {strides = array<i32>} : memref<640xf32, #tpu.memory_space<vmem>>, vector<16xf32>,
    %broadcast_in_dim3A_149 = arith.constant 0.000000e+00 : f32
    %broadcast_in_dim3A_150 = vector.broadcast %broadcast_in_dim3A_149 : f32 to vector<16xf32>
    %swap3A_151 = arith.constant 400 : index
    %swap3A_152 = tpu.vector_load %arg7[%swap3A_151] {strides = array<i32>} : memref<640xf32, #tpu.memory_space<vmem>>, vector<16xf32>,
    %swap3A_153 = vector.shape_cast %swap3A_152 : vector<16xf32> to vector<16xf32>
    %swap3A_154 = vector.shape_cast %broadcast_in_dim3A_150 : vector<16xf32> to vector<16xf32>
    tpu.vector_store %arg7[%swap3A_151], %swap3A_154 {strides = array<i32>} : memref<640xf32, #tpu.memory_space<vmem>>, vector<16xf32>,
    %broadcast_in_dim3A_155 = arith.constant 0.000000e+00 : f32
    %broadcast_in_dim3A_156 = vector.broadcast %broadcast_in_dim3A_155 : f32 to vector<16xf32>
    %swap3A_157 = arith.constant 416 : index
    %swap3A_158 = tpu.vector_load %arg7[%swap3A_157] {strides = array<i32>} : memref<640xf32, #tpu.memory_space<vmem>>, vector<16xf32>,
    %swap3A_159 = vector.shape_cast %swap3A_158 : vector<16xf32> to vector<16xf32>
    %swap3A_160 = vector.shape_cast %broadcast_in_dim3A_156 : vector<16xf32> to vector<16xf32>
    tpu.vector_store %arg7[%swap3A_157], %swap3A_160 {strides = array<i32>} : memref<640xf32, #tpu.memory_space<vmem>>, vector<16xf32>,
    %broadcast_in_dim3A_161 = arith.constant 0.000000e+00 : f32
    %broadcast_in_dim3A_162 = vector.broadcast %broadcast_in_dim3A_161 : f32 to vector<16xf32>
    %swap3A_163 = arith.constant 432 : index
    %swap3A_164 = tpu.vector_load %arg7[%swap3A_163] {strides = array<i32>} : memref<640xf32, #tpu.memory_space<vmem>>, vector<16xf32>,
    %swap3A_165 = vector.shape_cast %swap3A_164 : vector<16xf32> to vector<16xf32>
    %swap3A_166 = vector.shape_cast %broadcast_in_dim3A_162 : vector<16xf32> to vector<16xf32>
    tpu.vector_store %arg7[%swap3A_163], %swap3A_166 {strides = array<i32>} : memref<640xf32, #tpu.memory_space<vmem>>, vector<16xf32>,
    %broadcast_in_dim3A_167 = arith.constant 0.000000e+00 : f32
    %broadcast_in_dim3A_168 = vector.broadcast %broadcast_in_dim3A_167 : f32 to vector<16xf32>
    %swap3A_169 = arith.constant 448 : index
    %swap3A_170 = tpu.vector_load %arg7[%swap3A_169] {strides = array<i32>} : memref<640xf32, #tpu.memory_space<vmem>>, vector<16xf32>,
    %swap3A_171 = vector.shape_cast %swap3A_170 : vector<16xf32> to vector<16xf32>
    %swap3A_172 = vector.shape_cast %broadcast_in_dim3A_168 : vector<16xf32> to vector<16xf32>
    tpu.vector_store %arg7[%swap3A_169], %swap3A_172 {strides = array<i32>} : memref<640xf32, #tpu.memory_space<vmem>>, vector<16xf32>,
    %broadcast_in_dim3A_173 = arith.constant 0.000000e+00 : f32
    %broadcast_in_dim3A_174 = vector.broadcast %broadcast_in_dim3A_173 : f32 to vector<16xf32>
    %swap3A_175 = arith.constant 464 : index
    %swap3A_176 = tpu.vector_load %arg7[%swap3A_175] {strides = array<i32>} : memref<640xf32, #tpu.memory_space<vmem>>, vector<16xf32>,
    %swap3A_177 = vector.shape_cast %swap3A_176 : vector<16xf32> to vector<16xf32>
    %swap3A_178 = vector.shape_cast %broadcast_in_dim3A_174 : vector<16xf32> to vector<16xf32>
    tpu.vector_store %arg7[%swap3A_175], %swap3A_178 {strides = array<i32>} : memref<640xf32, #tpu.memory_space<vmem>>, vector<16xf32>,
    %broadcast_in_dim3A_179 = arith.constant 0.000000e+00 : f32
    %broadcast_in_dim3A_180 = vector.broadcast %broadcast_in_dim3A_179 : f32 to vector<16xf32>
    %swap3A_181 = arith.constant 480 : index
    %swap3A_182 = tpu.vector_load %arg7[%swap3A_181] {strides = array<i32>} : memref<640xf32, #tpu.memory_space<vmem>>, vector<16xf32>,
    %swap3A_183 = vector.shape_cast %swap3A_182 : vector<16xf32> to vector<16xf32>
    %swap3A_184 = vector.shape_cast %broadcast_in_dim3A_180 : vector<16xf32> to vector<16xf32>
    tpu.vector_store %arg7[%swap3A_181], %swap3A_184 {strides = array<i32>} : memref<640xf32, #tpu.memory_space<vmem>>, vector<16xf32>,
    %broadcast_in_dim3A_185 = arith.constant 0.000000e+00 : f32
    %broadcast_in_dim3A_186 = vector.broadcast %broadcast_in_dim3A_185 : f32 to vector<16xf32>
    %swap3A_187 = arith.constant 496 : index
    %swap3A_188 = tpu.vector_load %arg7[%swap3A_187] {strides = array<i32>} : memref<640xf32, #tpu.memory_space<vmem>>, vector<16xf32>,
    %swap3A_189 = vector.shape_cast %swap3A_188 : vector<16xf32> to vector<16xf32>
    %swap3A_190 = vector.shape_cast %broadcast_in_dim3A_186 : vector<16xf32> to vector<16xf32>
    tpu.vector_store %arg7[%swap3A_187], %swap3A_190 {strides = array<i32>} : memref<640xf32, #tpu.memory_space<vmem>>, vector<16xf32>,
    %broadcast_in_dim3A_191 = arith.constant 0.000000e+00 : f32
    %broadcast_in_dim3A_192 = vector.broadcast %broadcast_in_dim3A_191 : f32 to vector<16xf32>
    %swap3A_193 = arith.constant 512 : index
    %swap3A_194 = tpu.vector_load %arg7[%swap3A_193] {strides = array<i32>} : memref<640xf32, #tpu.memory_space<vmem>>, vector<16xf32>,
    %swap3A_195 = vector.shape_cast %swap3A_194 : vector<16xf32> to vector<16xf32>
    %swap3A_196 = vector.shape_cast %broadcast_in_dim3A_192 : vector<16xf32> to vector<16xf32>
    tpu.vector_store %arg7[%swap3A_193], %swap3A_196 {strides = array<i32>} : memref<640xf32, #tpu.memory_space<vmem>>, vector<16xf32>,
    %broadcast_in_dim3A_197 = arith.constant 0.000000e+00 : f32
    %broadcast_in_dim3A_198 = vector.broadcast %broadcast_in_dim3A_197 : f32 to vector<16xf32>
    %swap3A_199 = arith.constant 528 : index
    %swap3A_200 = tpu.vector_load %arg7[%swap3A_199] {strides = array<i32>} : memref<640xf32, #tpu.memory_space<vmem>>, vector<16xf32>,
    %swap3A_201 = vector.shape_cast %swap3A_200 : vector<16xf32> to vector<16xf32>
    %swap3A_202 = vector.shape_cast %broadcast_in_dim3A_198 : vector<16xf32> to vector<16xf32>
    tpu.vector_store %arg7[%swap3A_199], %swap3A_202 {strides = array<i32>} : memref<640xf32, #tpu.memory_space<vmem>>, vector<16xf32>,
    %broadcast_in_dim3A_203 = arith.constant 0.000000e+00 : f32
    %broadcast_in_dim3A_204 = vector.broadcast %broadcast_in_dim3A_203 : f32 to vector<16xf32>
    %swap3A_205 = arith.constant 544 : index
    %swap3A_206 = tpu.vector_load %arg7[%swap3A_205] {strides = array<i32>} : memref<640xf32, #tpu.memory_space<vmem>>, vector<16xf32>,
    %swap3A_207 = vector.shape_cast %swap3A_206 : vector<16xf32> to vector<16xf32>
    %swap3A_208 = vector.shape_cast %broadcast_in_dim3A_204 : vector<16xf32> to vector<16xf32>
    tpu.vector_store %arg7[%swap3A_205], %swap3A_208 {strides = array<i32>} : memref<640xf32, #tpu.memory_space<vmem>>, vector<16xf32>,
    %broadcast_in_dim3A_209 = arith.constant 0.000000e+00 : f32
    %broadcast_in_dim3A_210 = vector.broadcast %broadcast_in_dim3A_209 : f32 to vector<16xf32>
    %swap3A_211 = arith.constant 560 : index
    %swap3A_212 = tpu.vector_load %arg7[%swap3A_211] {strides = array<i32>} : memref<640xf32, #tpu.memory_space<vmem>>, vector<16xf32>,
    %swap3A_213 = vector.shape_cast %swap3A_212 : vector<16xf32> to vector<16xf32>
    %swap3A_214 = vector.shape_cast %broadcast_in_dim3A_210 : vector<16xf32> to vector<16xf32>
    tpu.vector_store %arg7[%swap3A_211], %swap3A_214 {strides = array<i32>} : memref<640xf32, #tpu.memory_space<vmem>>, vector<16xf32>,
    %broadcast_in_dim3A_215 = arith.constant 0.000000e+00 : f32
    %broadcast_in_dim3A_216 = vector.broadcast %broadcast_in_dim3A_215 : f32 to vector<16xf32>
    %swap3A_217 = arith.constant 576 : index
    %swap3A_218 = tpu.vector_load %arg7[%swap3A_217] {strides = array<i32>} : memref<640xf32, #tpu.memory_space<vmem>>, vector<16xf32>,
    %swap3A_219 = vector.shape_cast %swap3A_218 : vector<16xf32> to vector<16xf32>
    %swap3A_220 = vector.shape_cast %broadcast_in_dim3A_216 : vector<16xf32> to vector<16xf32>
    tpu.vector_store %arg7[%swap3A_217], %swap3A_220 {strides = array<i32>} : memref<640xf32, #tpu.memory_space<vmem>>, vector<16xf32>,
    %broadcast_in_dim3A_221 = arith.constant 0.000000e+00 : f32
    %broadcast_in_dim3A_222 = vector.broadcast %broadcast_in_dim3A_221 : f32 to vector<16xf32>
    %swap3A_223 = arith.constant 592 : index
    %swap3A_224 = tpu.vector_load %arg7[%swap3A_223] {strides = array<i32>} : memref<640xf32, #tpu.memory_space<vmem>>, vector<16xf32>,
    %swap3A_225 = vector.shape_cast %swap3A_224 : vector<16xf32> to vector<16xf32>
    %swap3A_226 = vector.shape_cast %broadcast_in_dim3A_222 : vector<16xf32> to vector<16xf32>
    tpu.vector_store %arg7[%swap3A_223], %swap3A_226 {strides = array<i32>} : memref<640xf32, #tpu.memory_space<vmem>>, vector<16xf32>,
    %broadcast_in_dim3A_227 = arith.constant 0.000000e+00 : f32
    %broadcast_in_dim3A_228 = vector.broadcast %broadcast_in_dim3A_227 : f32 to vector<16xf32>
    %swap3A_229 = arith.constant 608 : index
    %swap3A_230 = tpu.vector_load %arg7[%swap3A_229] {strides = array<i32>} : memref<640xf32, #tpu.memory_space<vmem>>, vector<16xf32>,
    %swap3A_231 = vector.shape_cast %swap3A_230 : vector<16xf32> to vector<16xf32>
    %swap3A_232 = vector.shape_cast %broadcast_in_dim3A_228 : vector<16xf32> to vector<16xf32>
    tpu.vector_store %arg7[%swap3A_229], %swap3A_232 {strides = array<i32>} : memref<640xf32, #tpu.memory_space<vmem>>, vector<16xf32>,
    %broadcast_in_dim3A_233 = arith.constant 0.000000e+00 : f32
    %broadcast_in_dim3A_234 = vector.broadcast %broadcast_in_dim3A_233 : f32 to vector<16xf32>
    %swap3A_235 = arith.constant 624 : index
    %swap3A_236 = tpu.vector_load %arg7[%swap3A_235] {strides = array<i32>} : memref<640xf32, #tpu.memory_space<vmem>>, vector<16xf32>,
    %swap3A_237 = vector.shape_cast %swap3A_236 : vector<16xf32> to vector<16xf32>
    %swap3A_238 = vector.shape_cast %broadcast_in_dim3A_234 : vector<16xf32> to vector<16xf32>
    tpu.vector_store %arg7[%swap3A_235], %swap3A_238 {strides = array<i32>} : memref<640xf32, #tpu.memory_space<vmem>>, vector<16xf32>,
    %mul3A_239 = arith.constant 640 : i32
    %mul3A_240 = arith.muli %arg1, %mul3A_239 : i32
    "tpu.region"() ({
      %run_scoped3A = tpu.sem_alloc : memref<!tpu.dma_semaphore, #tpu.memory_space<semaphore_mem>>
      %dma_start3A = tpu.memref_slice %arg8[%mul3A_240] : memref<10240xf32, #tpu.memory_space<vmem_shared>> -> memref<640xf32, #tpu.memory_space<vmem_shared>>
      %dma_start3A_252 = tpu.memref_slice %arg8[%mul3A_240] : memref<10240xf32, #tpu.memory_space<vmem_shared>> -> memref<640xf32, #tpu.memory_space<vmem_shared>>
      tpu.enqueue_dma source(%arg7 : memref<640xf32, #tpu.memory_space<vmem>>) target(%dma_start3A_252 : memref<640xf32, #tpu.memory_space<vmem_shared>>) target_semaphore(%run_scoped3A : memref<!tpu.dma_semaphore, #tpu.memory_space<semaphore_mem>>)
      %dma_wait3A = tpu.memref_slice %arg8[%mul3A_240] : memref<10240xf32, #tpu.memory_space<vmem_shared>> -> memref<640xf32, #tpu.memory_space<vmem_shared>>
      %dma_wait3A_253 = tpu.memref_slice %arg8[%mul3A_240] : memref<10240xf32, #tpu.memory_space<vmem_shared>> -> memref<640xf32, #tpu.memory_space<vmem_shared>>
      tpu.wait_dma2 semaphore(%run_scoped3A : memref<!tpu.dma_semaphore, #tpu.memory_space<semaphore_mem>>) src(%arg7 : memref<640xf32, #tpu.memory_space<vmem>>) dst(%dma_wait3A_253 : memref<640xf32, #tpu.memory_space<vmem_shared>>)
      tpu.yield
    }) : () -> ()
    %barrier3A = arith.constant 0 : index
    tpu.barrier barrier_id(%barrier3A)
    %scan3A = arith.constant 0 : i32
    %scan3A_241 = arith.constant 0 : i32
    %scan3A_242 = arith.constant 79 : i32
    %scan3A_243 = arith.addi %scan3A_241, %scan3A_242 : i32
    %scan3A_244 = arith.constant 1 : i32
    %scan3A_245 = scf.for %scan3A_252 = %scan3A_241 to %scan3A_243 step %scan3A_244 iter_args(%scan3A_253 = %scan3A) -> (i32)  : i32 {
      %mul3A_254 = arith.constant 79 : i32
      %mul3A_255 = arith.muli %add3A, %mul3A_254 : i32
      %add3A_256 = arith.addi %mul3A_255, %scan3A_252 : i32
      %mul3A_257 = arith.constant 128 : i32
      %mul3A_258 = arith.muli %add3A_256, %mul3A_257 : i32
      "tpu.region"() ({
        %run_scoped3A = tpu.sem_alloc : memref<!tpu.dma_semaphore, #tpu.memory_space<semaphore_mem>>
        %dma_start3A = tpu.memref_slice %arg2[%mul3A_258] : memref<323584xi32, #tpu.memory_space<hbm>> -> memref<128xi32, #tpu.memory_space<hbm>>
        %dma_start3A_260 = tpu.memref_slice %arg2[%mul3A_258] : memref<323584xi32, #tpu.memory_space<hbm>> -> memref<128xi32, #tpu.memory_space<hbm>>
        tpu.enqueue_dma source(%dma_start3A_260 : memref<128xi32, #tpu.memory_space<hbm>>) target(%arg5 : memref<128xi32, #tpu.memory_space<vmem>>) target_semaphore(%run_scoped3A : memref<!tpu.dma_semaphore, #tpu.memory_space<semaphore_mem>>)
        %dma_wait3A = tpu.memref_slice %arg2[%mul3A_258] : memref<323584xi32, #tpu.memory_space<hbm>> -> memref<128xi32, #tpu.memory_space<hbm>>
        %dma_wait3A_261 = tpu.memref_slice %arg2[%mul3A_258] : memref<323584xi32, #tpu.memory_space<hbm>> -> memref<128xi32, #tpu.memory_space<hbm>>
        tpu.wait_dma2 semaphore(%run_scoped3A : memref<!tpu.dma_semaphore, #tpu.memory_space<semaphore_mem>>) src(%dma_wait3A_261 : memref<128xi32, #tpu.memory_space<hbm>>) dst(%arg5 : memref<128xi32, #tpu.memory_space<vmem>>)
        tpu.yield
      }) : () -> ()
      "tpu.region"() ({
        %run_scoped3A = tpu.sem_alloc : memref<!tpu.dma_semaphore, #tpu.memory_space<semaphore_mem>>
        %dma_start3A = tpu.memref_slice %arg3[%mul3A_258] : memref<323584xf32, #tpu.memory_space<hbm>> -> memref<128xf32, #tpu.memory_space<hbm>>
        %dma_start3A_260 = tpu.memref_slice %arg3[%mul3A_258] : memref<323584xf32, #tpu.memory_space<hbm>> -> memref<128xf32, #tpu.memory_space<hbm>>
        tpu.enqueue_dma source(%dma_start3A_260 : memref<128xf32, #tpu.memory_space<hbm>>) target(%arg6 : memref<128xf32, #tpu.memory_space<vmem>>) target_semaphore(%run_scoped3A : memref<!tpu.dma_semaphore, #tpu.memory_space<semaphore_mem>>)
        %dma_wait3A = tpu.memref_slice %arg3[%mul3A_258] : memref<323584xf32, #tpu.memory_space<hbm>> -> memref<128xf32, #tpu.memory_space<hbm>>
        %dma_wait3A_261 = tpu.memref_slice %arg3[%mul3A_258] : memref<323584xf32, #tpu.memory_space<hbm>> -> memref<128xf32, #tpu.memory_space<hbm>>
        tpu.wait_dma2 semaphore(%run_scoped3A : memref<!tpu.dma_semaphore, #tpu.memory_space<semaphore_mem>>) src(%dma_wait3A_261 : memref<128xf32, #tpu.memory_space<hbm>>) dst(%arg6 : memref<128xf32, #tpu.memory_space<vmem>>)
        tpu.yield
      }) : () -> ()
      "tpu.region"() ({
        %run_scoped3A = tpu.sem_alloc : memref<!tpu.dma_semaphore, #tpu.memory_space<semaphore_mem>>
        %dma_start3A = arith.constant 0 : i32
        %dma_start3A_260 = tpu.memref_slice %arg8[%dma_start3A] : memref<10240xf32, #tpu.memory_space<vmem_shared>> -> memref<10240xf32, #tpu.memory_space<vmem_shared>>
        tpu.enqueue_indirect_dma source(%arg6 : memref<128xf32, #tpu.memory_space<vmem>>) target(%dma_start3A_260 : memref<10240xf32, #tpu.memory_space<vmem_shared>>) offsets(%arg5 : memref<128xi32, #tpu.memory_space<vmem>>) semaphore(%run_scoped3A : memref<!tpu.dma_semaphore, #tpu.memory_space<semaphore_mem>>) {add = true}
        %dma_wait3A = arith.constant 0 : i32
        %dma_wait3A_261 = tpu.memref_slice %arg8[%dma_wait3A] : memref<10240xf32, #tpu.memory_space<vmem_shared>> -> memref<10240xf32, #tpu.memory_space<vmem_shared>>
        tpu.wait_indirect_dma semaphore(%run_scoped3A : memref<!tpu.dma_semaphore, #tpu.memory_space<semaphore_mem>>) src(%arg6 : memref<128xf32, #tpu.memory_space<vmem>>) dst(%dma_wait3A_261 : memref<10240xf32, #tpu.memory_space<vmem_shared>>)
        tpu.yield
      }) : () -> ()
      %scan3A_259 = arith.constant 0 : i32
      scf.yield %scan3A_259 : i32
    }
    %scan3A_246 = arith.constant 79 : i32
    %barrier3A_247 = arith.constant 0 : index
    tpu.barrier barrier_id(%barrier3A_247)
    %mul3A_248 = arith.constant 640 : i32
    %mul3A_249 = arith.muli %arg1, %mul3A_248 : i32
    "tpu.region"() ({
      %run_scoped3A = tpu.sem_alloc : memref<!tpu.dma_semaphore, #tpu.memory_space<semaphore_mem>>
      %dma_start3A = tpu.memref_slice %arg8[%mul3A_249] : memref<10240xf32, #tpu.memory_space<vmem_shared>> -> memref<640xf32, #tpu.memory_space<vmem_shared>>
      %dma_start3A_252 = tpu.memref_slice %arg8[%mul3A_249] : memref<10240xf32, #tpu.memory_space<vmem_shared>> -> memref<640xf32, #tpu.memory_space<vmem_shared>>
      tpu.enqueue_dma source(%dma_start3A_252 : memref<640xf32, #tpu.memory_space<vmem_shared>>) target(%arg7 : memref<640xf32, #tpu.memory_space<vmem>>) target_semaphore(%run_scoped3A : memref<!tpu.dma_semaphore, #tpu.memory_space<semaphore_mem>>)
      %dma_wait3A = tpu.memref_slice %arg8[%mul3A_249] : memref<10240xf32, #tpu.memory_space<vmem_shared>> -> memref<640xf32, #tpu.memory_space<vmem_shared>>
      %dma_wait3A_253 = tpu.memref_slice %arg8[%mul3A_249] : memref<10240xf32, #tpu.memory_space<vmem_shared>> -> memref<640xf32, #tpu.memory_space<vmem_shared>>
      tpu.wait_dma2 semaphore(%run_scoped3A : memref<!tpu.dma_semaphore, #tpu.memory_space<semaphore_mem>>) src(%dma_wait3A_253 : memref<640xf32, #tpu.memory_space<vmem_shared>>) dst(%arg7 : memref<640xf32, #tpu.memory_space<vmem>>)
      tpu.yield
    }) : () -> ()
    %mul3A_250 = arith.constant 640 : i32
    %mul3A_251 = arith.muli %arg1, %mul3A_250 : i32
    "tpu.region"() ({
      %run_scoped3A = tpu.sem_alloc : memref<!tpu.dma_semaphore, #tpu.memory_space<semaphore_mem>>
      %dma_start3A = tpu.memref_slice %arg4[%arg0, %mul3A_251] : memref<2x10240xf32, #tpu.memory_space<hbm>> -> memref<1x640xf32, #tpu.memory_space<hbm>>
      %dma_start3A_252 = tpu.memref_squeeze %dma_start3A : memref<1x640xf32, #tpu.memory_space<hbm>> -> memref<640xf32, #tpu.memory_space<hbm>>
      %dma_start3A_253 = tpu.memref_slice %arg4[%arg0, %mul3A_251] : memref<2x10240xf32, #tpu.memory_space<hbm>> -> memref<1x640xf32, #tpu.memory_space<hbm>>
      %dma_start3A_254 = tpu.memref_squeeze %dma_start3A_253 : memref<1x640xf32, #tpu.memory_space<hbm>> -> memref<640xf32, #tpu.memory_space<hbm>>
      tpu.enqueue_dma source(%arg7 : memref<640xf32, #tpu.memory_space<vmem>>) target(%dma_start3A_254 : memref<640xf32, #tpu.memory_space<hbm>>) target_semaphore(%run_scoped3A : memref<!tpu.dma_semaphore, #tpu.memory_space<semaphore_mem>>)
      %dma_wait3A = tpu.memref_slice %arg4[%arg0, %mul3A_251] : memref<2x10240xf32, #tpu.memory_space<hbm>> -> memref<1x640xf32, #tpu.memory_space<hbm>>
      %dma_wait3A_255 = tpu.memref_squeeze %dma_wait3A : memref<1x640xf32, #tpu.memory_space<hbm>> -> memref<640xf32, #tpu.memory_space<hbm>>
      %dma_wait3A_256 = tpu.memref_slice %arg4[%arg0, %mul3A_251] : memref<2x10240xf32, #tpu.memory_space<hbm>> -> memref<1x640xf32, #tpu.memory_space<hbm>>
      %dma_wait3A_257 = tpu.memref_squeeze %dma_wait3A_256 : memref<1x640xf32, #tpu.memory_space<hbm>> -> memref<640xf32, #tpu.memory_space<hbm>>
      tpu.wait_dma2 semaphore(%run_scoped3A : memref<!tpu.dma_semaphore, #tpu.memory_space<semaphore_mem>>) src(%arg7 : memref<640xf32, #tpu.memory_space<vmem>>) dst(%dma_wait3A_257 : memref<640xf32, #tpu.memory_space<hbm>>)
      tpu.yield
    }) : () -> ()
    return
  }
}

</mosaic_0001>

<sc_bundles>
// kernel: _sc_degree.3.cloned.1.call-start
scs
__scs_entry_jumppad:
0x0: {  	(pc) =	sbr.rel $0x88, $3  }
0x1: {  	(tag) =	ssettag $0x0;
	lr =	simm.s32 $0x1  }
0x2: {  	[smem:$0x3F9F] =	sst lr;
	_ =	strace $0xD0000000  }
0x3: {  	_ = 	snop  }
0x4: {  	_ = 	snop  }
0x5: {  	_ = 	snop  }
0x6: {  	_ = 	snop  }
0x7: {  	_ = 	snop  }
__scs_overlays_trampoline_lowered:
0x8: {  	[smem:$0x3FAE] =	sst s0  }
0x9: {  	[smem:$0x3FAF] =	sst s1  }
0xa: {  	[smem:$0x3FB0] =	sst s2  }
0xb: {  	[smem:$0x3FB1] =	sst s3  }
0xc: {  	[smem:$0x3FB2] =	sst s4  }
0xd: {  	[smem:$0x3FB3] =	sst s5  }
0xe: {  	[smem:$0x3FB4] =	sst s6  }
0xf: {  	[smem:$0x3FB5] =	sst s7  }
0x10: {  	[smem:$0x3FB6] =	sst s8  }
0x11: {  	[smem:$0x3FB7] =	sst s9;
	s0 =	simm.s32 @!p0 $0x0  }
0x12: {  	s1 =	sld [smem:$0x3F9D];
	s0 =	simm.s32 @p0 $0x1  }
0x13: {  	[smem:$0x3FB8] =	sst s0;
	s0 =	simm.s32 @!p1 $0x0  }
0x14: {  	s2 =	sld [smem:$0x3F9C];
	s0 =	simm.s32 @p1 $0x1  }
0x15: {  	[smem:$0x3FB9] =	sst s0;
	s0 =	simm.s32 @!p2 $0x0  }
0x16: {  	s3 =	sld [smem:$0x3FDB];
	s0 =	simm.s32 @p2 $0x1  }
0x17: {  	s4 =	simm.s32 $0x1BF5;
	[smem:$0x3FBB] =	sst s0  }
0x18: {  	s0 =	sld [smem:$0x3F9E];
	_ =	swait.ge [sflag:s4], $0x0  }
0x19: {  	s7 =	sld [smem:$0x3F9F]  }
0x1a: {  	s8 =	sadd.s32 $0xFFFFE003, lr  }
0x1b: {  	s9 =	sadd.s32 $0xFFFFFEF7, lr;
	s5 =	simm.s32 $0xFFFFFFFF;
	p2 =	slt.u32 s8, $0xFFFFF086  }
0x1c: {  	p1 =	slt.u32 s9, $0xF7A;
	s5 =	simm.s32 @!p2 $0x0  }
0x1d: {  	s5 =	simm.s32 @p1 $0x1;
	p0 =	seq.s32 s7, s2  }
0x1e: {  	s7 =	smul.u32 @!p0 $0xF7A, s2;
	p2 =	seq.s32 @!p0 s5, $0x0  }
0x1f: {  	s9 =	smul.u32 $0xF7A, s1;
	s8 =	simm.s32 @!p0 $0x1BF5;
	p2 =	por !p2, p0  }
0x20: {  	[sflag:s8] =	ssyncset.s32 @!p0 $0xFFFFF086;
	s6 =	sadd.s32 @!p0 s3, s7;
	s7 =	simm.s32 @!p0 $0x108  }
0x21: {  	s3 =	sadd.s32 s3, s9;
	s6 =	sadd.s32 @!p0 $0x88, s6;
	s7 =	simm.s32 @p2 $0x1082  }
0x22: {  	[simem:s7], [sflag:s8] =	dma.local @!p0 [hbm:s6], $0xF7A  }
0x23: {  	s9 =	sor.u32 $0xD0000000, s2;
	s6 =	simm.s32 $0x108;
	_ =	swait.ge @!p0 [sflag:s8], $0x0  }
0x24: {  	s3 =	sadd.s32 $0x88, s3;
	s6 =	simm.s32 @!p1 $0x1082;
	[sflag:s4] =	ssyncset.s32 $0xFFFFF086  }
0x25: {  	[simem:s6], [sflag:s4] =	dma.local [hbm:s3], $0xF7A  }
0x26: {  	[smem:$0x3F9F] =	sst s1;
	(tag) =	ssettag s2;
	_ =	strace s9  }
0x27: {  	s1 =	sld [smem:$0x3FAF]  }
0x28: {  	s2 =	sld [smem:$0x3FB0]  }
0x29: {  	s4 =	sld [smem:$0x3FB2]  }
0x2a: {  	p0 =	seq.s32 s5, $0x0;
	s5 =	sld [smem:$0x3FB3]  }
0x2b: {  	s6 =	sld [smem:$0x3FB4]  }
0x2c: {  	s7 =	sld [smem:$0x3FB5]  }
0x2d: {  	s3 =	simm.s32 $0x108;
	s8 =	sld [smem:$0x3FB6]  }
0x2e: {  	s3 =	simm.s32 @!p0 $0x1082;
	s9 =	sld [smem:$0x3FB7]  }
0x2f: {  	lr =	sadd.s32 s0, s3;
	s0 =	sld [smem:$0x3FAE]  }
0x30: {  	s3 =	sld [smem:$0x3FB1]  }
0x31: {  	[smem:$0x3FBA] =	sst s10  }
0x32: {  	s10 =	sld [smem:$0x3FB8];
	_ =	sdelay $0x3  }
0x33: {  	p0 =	seq.s32 s10, $0x1;
	s10 =	sld [smem:$0x3FBA];
	_ =	sdelay $0x3  }
0x34: {  	[smem:$0x3FBA] =	sst s10  }
0x35: {  	s10 =	sld [smem:$0x3FB9];
	_ =	sdelay $0x3  }
0x36: {  	p1 =	seq.s32 s10, $0x1;
	s10 =	sld [smem:$0x3FBA];
	_ =	sdelay $0x3  }
0x37: {  	[smem:$0x3FBA] =	sst s10  }
0x38: {  	s10 =	sld [smem:$0x3FBB]  }
0x39: {  	_ = 	snop;
	(pc) =	sbr.ind lr, $3  }
0x3a: {  	_ = 	snop  }
0x3b: {  	_ = 	snop  }
0x3c: {  	p2 =	seq.s32 s10, $0x1;
	s10 =	sld [smem:$0x3FBA]  }
0x3d: {  	_ =	shalt  }
0x3e: {  	_ =	shalt  }
0x3f: {  	_ =	shalt  }
0x40: {  	_ =	shalt  }
0x41: {  	_ =	shalt  }
0x42: {  	_ =	shalt  }
0x43: {  	_ =	shalt  }
0x44: {  	_ =	shalt  }
0x45: {  	_ =	shalt  }
0x46: {  	_ =	shalt  }
0x47: {  	_ =	shalt  }
0x48: {  	_ =	shalt  }
0x49: {  	_ =	shalt  }
0x4a: {  	_ =	shalt  }
0x4b: {  	_ =	shalt  }
0x4c: {  	_ =	shalt  }
0x4d: {  	_ =	shalt  }
0x4e: {  	_ =	shalt  }
0x4f: {  	_ =	shalt  }
0x50: {  	_ =	shalt  }
0x51: {  	_ =	shalt  }
0x52: {  	_ =	shalt  }
0x53: {  	_ =	shalt  }
0x54: {  	_ =	shalt  }
0x55: {  	_ =	shalt  }
0x56: {  	_ =	shalt  }
0x57: {  	_ =	shalt  }
0x58: {  	_ =	shalt  }
0x59: {  	_ =	shalt  }
0x5a: {  	_ =	shalt  }
0x5b: {  	_ =	shalt  }
0x5c: {  	_ =	shalt  }
0x5d: {  	_ =	shalt  }
0x5e: {  	_ =	shalt  }
0x5f: {  	_ =	shalt  }
0x60: {  	_ =	shalt  }
0x61: {  	_ =	shalt  }
0x62: {  	_ =	shalt  }
0x63: {  	_ =	shalt  }
0x64: {  	_ =	shalt  }
0x65: {  	_ =	shalt  }
0x66: {  	_ =	shalt  }
0x67: {  	_ =	shalt  }
0x68: {  	_ =	shalt  }
0x69: {  	_ =	shalt  }
0x6a: {  	_ =	shalt  }
0x6b: {  	_ =	shalt  }
0x6c: {  	_ =	shalt  }
0x6d: {  	_ =	shalt  }
0x6e: {  	_ =	shalt  }
0x6f: {  	_ =	shalt  }
0x70: {  	_ =	shalt  }
0x71: {  	_ =	shalt  }
0x72: {  	_ =	shalt  }
0x73: {  	_ =	shalt  }
0x74: {  	_ =	shalt  }
0x75: {  	_ =	shalt  }
0x76: {  	_ =	shalt  }
0x77: {  	_ =	shalt  }
0x78: {  	_ =	shalt  }
0x79: {  	_ =	shalt  }
0x7a: {  	_ =	shalt  }
0x7b: {  	_ =	shalt  }
0x7c: {  	_ =	shalt  }
0x7d: {  	_ =	shalt  }
0x7e: {  	_ =	shalt  }
0x7f: {  	_ =	shalt  }
0x80: {  	_ =	shalt  }
0x81: {  	_ =	shalt  }
0x82: {  	_ =	shalt  }
0x83: {  	_ =	shalt  }
0x84: {  	_ =	shalt  }
0x85: {  	_ =	shalt  }
0x86: {  	_ =	shalt  }
0x87: {  	_ =	shalt  }
.Lfunc_end0:
.L_simem_size_0:
called_computation_lowered:
.L_overlay_start_0:
0x88: {  	s2 =	sld [smem:$0x3FD9]  }
0x89: {  	s3 =	sld [smem:$0x3FFE];
	_ =	sdelay $0x1  }
0x8a: {  	s1 =	srdreg.scid  }
0x8b: {  	s0 =	sand.u32 $0x1, s1  }
0x8c: {  	s18 =	sshll.u32 s0, $0xA;
	s2 =	sadd.s32 s3, s2  }
0x8d: {  	s2 =	sadd.s32 s2, s18  }
0x8e: {  	[smem:$0x3FC6] =	sst s2  }
0x8f: {  	_ = 	snop  }
0x90: {  	s2 =	sld [smem:$0x3FC9]  }
0x91: {  	s19 =	sld [smem:$0x3FC8]  }
0x92: {  	s4 =	sld [smem:$0x3FD0];
	(tm) =	ssettm $0x1  }
0x93: {  	s5 =	sld [smem:$0x3FFB];
	_ =	sdelay $0x3  }
0x94: {  	_ =	strace s5  }
0x95: {  	s5 =	sld [smem:$0x3FFC];
	_ =	sdelay $0x3  }
0x96: {  	_ =	strace s5  }
0x97: {  	s5 =	sld [smem:$0x3FFD];
	_ =	sdelay $0x3  }
0x98: {  	_ =	strace s5  }
0x99: {  	_ =	strace $0x8FFFFFFF  }
0x9a: {  	s20 =	sld [smem:$0x3FDB];
	_ =	sdelay $0x1  }
0x9b: {  	s6 =	simm.s32 $_scs_section_size  }
0x9c: {  	s7 =	simm.s32 $_size__tile_overlayer_lowered;
	s8 =	simm.s32 $_tile_overlayer_lowered  }
0x9d: {  	s23 =	simm.s32 $0x1BFF;
	s22 =	sshll.u32 s8, $0x1;
	s5 =	sadd.s32 s6, s20  }
0x9e: {  	s9 =	simm.s32 $0x0;
	s21 =	sshll.u32 s7, $0x1;
	s7 =	sadd.s32 s22, s5  }
0x9f: {  	[timem:s9], [sflag:s23] =	dma.local [hbm:s7], s21  }
0xa0: {  	_ =	swait.ge [sflag:s23], s21  }
0xa1: {  	s6 =	ssub.s32 $0x0, s21;
	[sflag:s23] =	ssyncset.done $0x0  }
0xa2: {  	[sflag:s23] =	ssyncadd.s32 s6;
	_ =	sdelay $0x1  }
0xa3: {  	s24 =	simm.s32 $0x1B8B  }
0xa4: {  	_ =	swait.ge [sflag:s24], $0x1  }
0xa5: {  	[sflag:s24] =	ssyncset.done $0x0  }
0xa6: {  	s25 =	simm.s32 $0x1B8E;
	[sflag:s24] =	ssyncadd.s32 $0xFFFFFFFF  }
0xa7: {  	s26 =	simm.s32 $execute0_lowered;
	[smem:$0x3FD2] =	sst s25  }
0xa8: {  	s6 =	sshll.u32 s26, $0x1;
	_ =	strace $0x80000046;
	[dreg:$0x1] =	wrdreg $0xFFFFFFFF  }
0xa9: {  	s28 =	simm.s32 $_size_execute0_lowered;
	s5 =	sadd.s32 s5, s6;
	[dreg:$0x0] =	wrdreg $0x0  }
0xaa: {  	s6 =	sshll.u32 s28, $0x1;
	[dreg:$0x2] =	wrdreg s5  }
0xab: {  	[dreg:$0x3] =	wrdreg s6  }
0xac: {  	[dreg:$0x4] =	wrdreg $0xC0  }
0xad: {  	_ =	task [dreg:s9], $0x5FFFF  }
0xae: {  	[dreg:$0x1] =	wrdreg $0xFFFFFFFF  }
0xaf: {  	[dreg:$0x0] =	wrdreg $0x60  }
0xb0: {  	[dreg:$0x2] =	wrdreg s2  }
0xb1: {  	[dreg:$0x3] =	wrdreg s19  }
0xb2: {  	[dreg:$0x4] =	wrdreg s4  }
0xb3: {  	[dreg:$0x5] =	wrdreg $0x3800  }
0xb4: {  	[dreg:$0x6] =	wrdreg $0x9  }
0xb5: {  	_ =	task.clear_ibuf [dreg:s9], $0x7FFFF;
	_ =	strace $0x90000046  }
0xb6: {  	s29 =	simm.s32 $0x9;
	_ =	strace $0x80000048  }
0xb7: {  	_ =	swait.ge [sflag:s29], $0x1  }
0xb8: {  	[sflag:s29] =	ssyncadd.s32 $0xFFFFFFFF  }
0xb9: {  	_ =	strace $0x90000048  }
0xba: {  	_ =	sfence  }
0xbb: {  	s30 =	sld [smem:$0x0];
	_ =	sdelay $0x2  }
0xbc: {  	s31 =	sshll.u32 s1, $0xD;
	s1 =	sshrl.u32 s1, $0x2  }
0xbd: {  	s3 =	sand.u32 $0x4000, s31;
	s1 =	sadd.s32 s1, s30  }
0xbe: {  	s0 =	sor.u32 s3, s0;
	s1 =	sshll.u32 s1, $0x11  }
0xbf: {  	s0 =	sor.u32 s1, s0  }
0xc0: {  	s0 =	sadd.s32 $0x8F2B, s0  }
0xc1: {  	[sflag:s0] =	ssyncadd.remote.s32 $0x1  }
0xc2: {  	_ =	sfence.sel $0xFFFF  }
0xc3: {  	[dreg:$0x0] =	wrdreg $0xFFFFFFFF;
	(pc) =	sbr.abs _section_cstart, $3  }
0xc4: {  	[dreg:$0x1] =	wrdreg $0xFFFFFFFF  }
0xc5: {  	_ =	task.clear_ibuf [dreg:s9], $0x2FFFF;
	_ =	strace $0x9FFFFFFF  }
0xc6: {  	(tm) =	ssettm $0x7FFFFFFF  }
0xc7: {  	_ =	shalt  }
tec
execute0_lowered:
.L_overlay_start_1:
0x0: {  	(tag) =	ssettag $0x1  }
0x1: {  	s7 =	rddreg [dreg:$0x0]  }
0x2: {  	s8 =	rddreg [dreg:$0x1]  }
0x3: {  	s5 =	rddreg [dreg:$0x2]  }
0x4: {  	s2 =	rddreg [dreg:$0x3]  }
0x5: {  	s0 =	rddreg [dreg:$0x4];
	s1 =	stileid.u32  }
0x6: {  	s4 =	srdreg.scid;
	s3 =	simm.s32 $0x0;
	s9 =	smul.u32 $0x500, s1  }
0x7: {  	s4 =	sand.u32 $0x1, s4;
	[smem:$0x7FF] =	sst s3;
	s11 =	smul.u32 $0xA00, s1  }
0x8: {  	s30 =	smul.u32 $0x4F0, s1;
	s6 =	ssub.s32 $0x2, s4;
	s12 =	sshll.u32 s4, $0x7  }
0x9: {  	_ =	strace $0x80000047;
	s29 =	smul.u32 $0x4F00, s4;
	s10 =	sshrl.u32 s6, $0x1  }
0xa: {  	s9 =	sor.u32 s12, s9;
	s28 =	sshrl.u32 s11, $0x2;
	s11 =	simm.s32 $0x80  }
0xb: {  	s12 =	simm.s32 $0x0;
	s6 =	ssub.s32 s6, s10;
	s9 =	sshrl.u32 s9, $0x3  }
0xc: {  	s4 =	sadd.s32 s28, s2;
	s8 =	sadd.s32 s29, s8;
	s31 =	sadd.s32 s29, s7  }
0xd: {  	s10 =	simm.s32 $0x1;
	s5 =	sadd.s32 s5, s9;
	s6 =	smax.u32 s6, $0x1  }
0xe: {  	v0 =	vimm.f32 $0.0e+00;
	s7 =	sadd.s32 s30, s8;
	s8 =	sadd.s32 s30, s31;
	s9 =	simm.s32 $0x100  }
.LBB2_1:
0xf: {  	[tilespmem:$0x100] =	vst v0  }
0x10: {  	[tilespmem:$0x110] =	vst v0  }
0x11: {  	[tilespmem:$0x120] =	vst v0  }
0x12: {  	[tilespmem:$0x130] =	vst v0  }
0x13: {  	[tilespmem:$0x140] =	vst v0  }
0x14: {  	[tilespmem:$0x150] =	vst v0  }
0x15: {  	[tilespmem:$0x160] =	vst v0  }
0x16: {  	[tilespmem:$0x170] =	vst v0  }
0x17: {  	[tilespmem:$0x180] =	vst v0  }
0x18: {  	[tilespmem:$0x190] =	vst v0  }
0x19: {  	[tilespmem:$0x1A0] =	vst v0  }
0x1a: {  	[tilespmem:$0x1B0] =	vst v0  }
0x1b: {  	[tilespmem:$0x1C0] =	vst v0  }
0x1c: {  	[tilespmem:$0x1D0] =	vst v0  }
0x1d: {  	[tilespmem:$0x1E0] =	vst v0  }
0x1e: {  	[tilespmem:$0x1F0] =	vst v0  }
0x1f: {  	[tilespmem:$0x200] =	vst v0  }
0x20: {  	[tilespmem:$0x210] =	vst v0  }
0x21: {  	[tilespmem:$0x220] =	vst v0  }
0x22: {  	[tilespmem:$0x230] =	vst v0  }
0x23: {  	[tilespmem:$0x240] =	vst v0  }
0x24: {  	[tilespmem:$0x250] =	vst v0  }
0x25: {  	[tilespmem:$0x260] =	vst v0  }
0x26: {  	[tilespmem:$0x270] =	vst v0  }
0x27: {  	[tilespmem:$0x280] =	vst v0  }
0x28: {  	[tilespmem:$0x290] =	vst v0  }
0x29: {  	[tilespmem:$0x2A0] =	vst v0  }
0x2a: {  	[tilespmem:$0x2B0] =	vst v0  }
0x2b: {  	[tilespmem:$0x2C0] =	vst v0  }
0x2c: {  	[tilespmem:$0x2D0] =	vst v0  }
0x2d: {  	[tilespmem:$0x2E0] =	vst v0  }
0x2e: {  	[tilespmem:$0x2F0] =	vst v0  }
0x2f: {  	[tilespmem:$0x300] =	vst v0  }
0x30: {  	[tilespmem:$0x310] =	vst v0  }
0x31: {  	[tilespmem:$0x320] =	vst v0  }
0x32: {  	[tilespmem:$0x330] =	vst v0  }
0x33: {  	[tilespmem:$0x340] =	vst v0  }
0x34: {  	[tilespmem:$0x350] =	vst v0  }
0x35: {  	[tilespmem:$0x360] =	vst v0  }
0x36: {  	[tilespmem:$0x370] =	vst v0  }
0x37: {  	[spmem:s4] =	stream.linear.scatter [tilespmem:s9], [sflag:$0x1], $0x280, $0x38;
	[tilespmem:$0x600] =	vst v63  }
0x38: {  	_ =	swait.ge [sflag:s10], $0x280  }
0x39: {  	[sflag:s10] =	ssyncset.done $0x0  }
0x3a: {  	[sflag:s10] =	ssyncadd.s32 $0xFFFFFD80  }
0x3b: {  	s13 =	sadd.s32 $0x0, s8;
	[bflag:$0x0] =	sbarrier.arrive $0xFFFF  }
0x3c: {  	[tilespmem:s3], [sflag:$0x1] =	stream.linear.gather [hbm4b:s13+s3], $0x80, $0x38;
	[tilespmem:$0x600] =	vst v63  }
0x3d: {  	_ =	swait.ge [sflag:s10], $0x80  }
0x3e: {  	[sflag:s10] =	ssyncset.done $0x0  }
0x3f: {  	s31 =	sadd.s32 $0x0, s7;
	[sflag:s10] =	ssyncadd.s32 $0xFFFFFF80  }
0x40: {  	[tilespmem:s11], [sflag:$0x1] =	stream.linear.gather [hbm4b:s31+s3], $0x80, $0x38;
	[tilespmem:$0x600] =	vst v63  }
0x41: {  	_ =	swait.ge [sflag:s10], $0x80  }
0x42: {  	[sflag:s10] =	ssyncset.done $0x0  }
0x43: {  	[sflag:s10] =	ssyncadd.s32 $0xFFFFFF80  }
0x44: {  	[spmem:s2] =	stream.indirect.scatter.add.f32 [tilespmem:s11], [sflag:$0x1], $0x1, s3, s11, $0xb8;
	[tilespmem:$0x600] =	vst v63  }
0x45: {  	_ =	swait.ge [sflag:s10], $0x80  }
0x46: {  	s14 =	simm.s32 $0x20;
	s13 =	simm.s32 $0x10;
	[sflag:s10] =	ssyncset.done $0x0  }
.LBB2_2:
0x47: {  	s15 =	sadd.s32 s13, s8  }
0x48: {  	[sflag:s10] =	ssyncadd.s32 $0xFFFFFF80;
	s16 =	smov.u32 s14;
	s17 =	sadd.s32 $0x10, s14  }
0x49: {  	[tilespmem:s3], [sflag:$0x1] =	stream.linear.gather [hbm4b:s15+s3], $0x80, $0x38;
	[tilespmem:$0x600] =	vst v63  }
0x4a: {  	p0 =	sne.s32 s14, $0x4E0;
	_ =	swait.ge [sflag:s10], $0x80  }
0x4b: {  	[sflag:s10] =	ssyncset.done $0x0  }
0x4c: {  	s14 =	sadd.s32 s13, s7;
	s13 =	smov.u32 s16;
	[sflag:s10] =	ssyncadd.s32 $0xFFFFFF80  }
0x4d: {  	[tilespmem:s11], [sflag:$0x1] =	stream.linear.gather [hbm4b:s14+s3], $0x80, $0x38;
	[tilespmem:$0x600] =	vst v63  }
0x4e: {  	_ =	swait.ge [sflag:s10], $0x80  }
.Ltmp0:
0x4f: {  	[sflag:s10] =	ssyncset.done $0x0;
	(pc) =	sbr.rel @p0 .LBB2_2-.Ltmp0, $4  }
0x50: {  	[sflag:s10] =	ssyncadd.s32 $0xFFFFFF80  }
0x51: {  	[spmem:s2] =	stream.indirect.scatter.add.f32 [tilespmem:s11], [sflag:$0x1], $0x1, s3, s11, $0xb8;
	[tilespmem:$0x600] =	vst v63  }
0x52: {  	_ =	swait.ge [sflag:s10], $0x80  }
0x53: {  	s14 =	smov.u32 s17;
	[sflag:s10] =	ssyncset.done $0x0  }
0x54: {  	s14 =	sadd.s32 s13, s8;
	[sflag:s10] =	ssyncadd.s32 $0xFFFFFF80  }
0x55: {  	[tilespmem:s3], [sflag:$0x1] =	stream.linear.gather [hbm4b:s14+s3], $0x80, $0x38;
	[tilespmem:$0x600] =	vst v63  }
0x56: {  	_ =	swait.ge [sflag:s10], $0x80  }
0x57: {  	[sflag:s10] =	ssyncset.done $0x0  }
0x58: {  	s31 =	sadd.s32 s13, s7;
	[sflag:s10] =	ssyncadd.s32 $0xFFFFFF80  }
0x59: {  	[tilespmem:s11], [sflag:$0x1] =	stream.linear.gather [hbm4b:s31+s3], $0x80, $0x38;
	[tilespmem:$0x600] =	vst v63  }
0x5a: {  	_ =	swait.ge [sflag:s10], $0x80  }
0x5b: {  	[sflag:s10] =	ssyncset.done $0x0  }
0x5c: {  	[sflag:s10] =	ssyncadd.s32 $0xFFFFFF80  }
0x5d: {  	[spmem:s2] =	stream.indirect.scatter.add.f32 [tilespmem:s11], [sflag:$0x1], $0x1, s3, s11, $0xb8;
	[tilespmem:$0x600] =	vst v63  }
0x5e: {  	_ =	swait.ge [sflag:s10], $0x80  }
0x5f: {  	[sflag:s10] =	ssyncset.done $0x0  }
0x60: {  	[sflag:s10] =	ssyncadd.s32 $0xFFFFFF80  }
0x61: {  	[bflag:$0x0] =	sbarrier.arrive $0xFFFF  }
0x62: {  	[tilespmem:s9], [sflag:$0x1] =	stream.linear.gather [spmem:s4], $0x280, $0x38;
	[tilespmem:$0x600] =	vst v63  }
0x63: {  	s12 =	sadd.s32 $0x1, s12;
	_ =	swait.ge [sflag:s10], $0x280  }
0x64: {  	p0 =	sne.s32 s12, s6;
	[sflag:s10] =	ssyncset.done $0x0  }
.Ltmp1:
0x65: {  	[sflag:s10] =	ssyncadd.s32 $0xFFFFFD80;
	(pc) =	sbr.rel @p0 .LBB2_1-.Ltmp1, $4  }
0x66: {  	[hbm4b:s5+s11] =	stream.strided.scatter [tilespmem:s9], [sflag:$0x1], $0x280, s9, s11, $0x38;
	[tilespmem:$0x600] =	vst v63  }
0x67: {  	_ =	swait.ge [sflag:s10], $0x280  }
0x68: {  	[sflag:s10] =	ssyncset.done $0x0  }
0x69: {  	[sflag:s10] =	ssyncadd.s32 $0xFFFFFD80  }
0x6a: {  	_ =	sfence.sel $0x180000  }
0x6b: {  	[bflag:$0x0] =	sbarrier.arrive $0xFFFF  }
0x6c: {  	p0 =	sne.s32 s1, $0x0;
	_ =	strace $0x90000047  }
0x6d: {  	s0 =	sadd.s32 @!p0 $0x100000, s0;
	[bflag:$0x2] =	sbarrier.arrive $0xFFFF  }
0x6e: {  	[sflag:s0] =	ssyncadd.tile.s32 @!p0 $0x1;
	_ =	shalt  }
.Lfunc_end2:
_tile_overlayer_lowered:
.L_overlay_start_2:
0x6f: {  	(tag) =	ssettag $0x2  }
0x70: {  	s0 =	rddreg [dreg:$0x0];
	s2 =	stileid.u32  }
0x71: {  	s1 =	rddreg [dreg:$0x1];
	p0 =	sne.s32 s2, $0x0  }
0x72: {  	s3 =	rddreg [dreg:$0x2];
	[bflag:$0x3] =	sbarrier.arrive $0xFFFF;
	s2 =	simm.s32 @!p0 $0x1C01  }
0x73: {  	[timem:s3], [sflag:s2] =	dma.local @!p0 [hbm:s0], s1  }
0x74: {  	s0 =	simm.s32 @!p0 $0x1  }
0x75: {  	_ =	swait.ge @!p0 [sflag:s0], s1  }
0x76: {  	s1 =	ssub.s32 @!p0 $0x0, s1;
	[sflag:s0] =	ssyncset.done @!p0 $0x0  }
0x77: {  	[sflag:s0] =	ssyncadd.s32 @!p0 s1  }
0x78: {  	[bflag:$0x3] =	sbarrier.arrive $0xFFFF  }
0x79: {  	_ =	shalt  }

</sc_bundles>
